<compile_context>
chip_gen: v7x
topology: tpu7x:2x2x1
jax: 0.10.2.dev20260603
libtpu: 0.0.44.dev20260713+nightly
codegen_flags: <defaults>
</compile_context>

<pallas_src>
import functools

import jax
import jax.numpy as jnp
from jax import lax
from jax.experimental import pallas as pl
from jax.experimental.pallas import tpu as pltpu
from jax.experimental.pallas import tpu_sc as plsc

N_NODES_C = 10000
N_EDGES_C = 320000
D_C = 128

NC = 2
NS = 16
NW = NC * NS

CH = 128
NCHUNK0 = 114
NCHUNK1 = 44
NCHUNK = max(NCHUNK0, NCHUNK1)
E_PAD = (NCHUNK0 + NCHUNK1) * NS * CH
ACC_ROWS = 10240
ROWS_PER_TILE = ACC_ROWS // NS


def _sc_body(src_hbm, dst_hbm, hn_hbm, zeros_hbm, out_hbm,
             src_v, dst_v, rows_v, acc, sg0):
    c = lax.axis_index("c")
    s = lax.axis_index("s")
    wid = c * NS + s

    row0 = s * ROWS_PER_TILE
    pltpu.sync_copy(zeros_hbm.at[pl.ds(row0, ROWS_PER_TILE)],
                    acc.at[pl.ds(row0, ROWS_PER_TILE)])
    pltpu.sync_copy(src_hbm.at[wid], src_v)
    pltpu.sync_copy(dst_hbm.at[wid], dst_v)
    plsc.subcore_barrier()

    def chunk(j, carry):
        pltpu.async_copy(hn_hbm.at[src_v.at[j]], rows_v, sg0).wait()
        pltpu.sync_copy(rows_v, acc.at[dst_v.at[j]], add=True)
        return carry

    @pl.when(c == 0)
    def _():
        lax.fori_loop(0, NCHUNK0, chunk, 0, unroll=False)

    @pl.when(c == 1)
    def _():
        lax.fori_loop(0, NCHUNK1, chunk, 0, unroll=False)

    plsc.subcore_barrier()
    pltpu.sync_copy(acc.at[pl.ds(row0, ROWS_PER_TILE)],
                    out_hbm.at[c, pl.ds(row0, ROWS_PER_TILE)])


@functools.cache
def _sc_aggregate():
    return functools.partial(
        pl.kernel,
        out_type=jax.ShapeDtypeStruct((NC, ACC_ROWS, D_C), jnp.float32),
        mesh=plsc.VectorSubcoreMesh(core_axis_name="c", subcore_axis_name="s",
                                    num_cores=NC, num_subcores=NS),
        scratch_types=[
            pltpu.VMEM((NCHUNK, CH), jnp.int32),
            pltpu.VMEM((NCHUNK, CH), jnp.int32),
            pltpu.VMEM((CH, D_C), jnp.float32),
            pltpu.VMEM_SHARED((ACC_ROWS, D_C), jnp.float32),
            pltpu.SemaphoreType.DMA,
        ],
    )(_sc_body)


def _mlp_body(hn_ref, p_ref, w1a_ref, w1b_ref, b1_ref, w2_ref, b2_ref,
              w3_ref, b3_ref, out_ref):
    aggr = p_ref[0] + p_ref[1]
    hi = lax.Precision.DEFAULT
    h = jnp.dot(hn_ref[...], w1a_ref[...], precision=hi,
                preferred_element_type=jnp.float32)
    h += jnp.dot(aggr, w1b_ref[...], precision=hi,
                 preferred_element_type=jnp.float32)
    h = jnp.maximum(h + b1_ref[...], 0.0)
    h = jnp.maximum(
        jnp.dot(h, w2_ref[...], precision=hi,
                preferred_element_type=jnp.float32) + b2_ref[...], 0.0)
    out_ref[...] = jnp.dot(h, w3_ref[...], precision=hi,
                           preferred_element_type=jnp.float32) + b3_ref[...]


def _mlp(hn, partials, w1a, w1b, b1, w2, b2, w3, b3):
    blk = 5000
    grid = (N_NODES_C // blk,)
    wspec = pl.BlockSpec((D_C, D_C), lambda i: (0, 0))
    bspec = pl.BlockSpec((1, D_C), lambda i: (0, 0))
    return pl.pallas_call(
        _mlp_body,
        grid=grid,
        in_specs=[
            pl.BlockSpec((blk, D_C), lambda i: (i, 0)),
            pl.BlockSpec((NC, blk, D_C), lambda i: (0, i, 0)),
            wspec, wspec, bspec, wspec, bspec, wspec, bspec,
        ],
        out_specs=pl.BlockSpec((blk, D_C), lambda i: (i, 0)),
        out_shape=jax.ShapeDtypeStruct((N_NODES_C, D_C), jnp.float32),
    )(hn, partials, w1a, w1b, b1, w2, b2, w3, b3)


def kernel(hn, edge_index, he, W1, b1, W2, b2, W3, b3):
    del he
    src = edge_index[0]
    dst = edge_index[1]
    pad = E_PAD - N_EDGES_C
    src = jnp.concatenate([src, jnp.zeros((pad,), jnp.int32)])
    dst = jnp.concatenate([dst, jnp.full((pad,), N_NODES_C, jnp.int32)])
    nA = NS * NCHUNK0 * CH

    def slab(flat, fill):
        def part(x, n):
            x = x.reshape(NS, n, CH)
            if n < NCHUNK:
                x = jnp.concatenate(
                    [x, jnp.full((NS, NCHUNK - n, CH), fill, jnp.int32)],
                    axis=1)
            return x

        return jnp.concatenate(
            [part(flat[:nA], NCHUNK0), part(flat[nA:], NCHUNK1)], axis=0)

    src = slab(src, 0)
    dst = slab(dst, N_NODES_C)
    zeros = jnp.zeros((ACC_ROWS, D_C), jnp.float32)

    partials = _sc_aggregate()(src, dst, hn, zeros)

    w1a = W1[:, :D_C].T
    w1b = W1[:, D_C:].T
    return _mlp(hn, partials, w1a, w1b, b1.reshape(1, -1),
                W2.T, b2.reshape(1, -1), W3.T, b3.reshape(1, -1))

# --- scband reference (transcript-rebuilt; emitter-appended) ---
"""Pipeline reference for scband-regression-branch-xn-only-76192719831675 (READ-ONLY COPY).

The authoritative reference and input builder live on the scoring server;
editing this copy changes nothing except your own understanding.
"""

import jax, jax.numpy as jnp
import numpy as np

N_NODES = 10000
N_EDGES = 320000
D_FEAT = 128
D_EDGE = 16
OUT_FEAT = 128


def setup_inputs(seed: int = 0) -> dict:
    key = jax.random.key(seed)
    ks = jax.random.split(key, 10)
    hn = jax.random.normal(ks[0], (N_NODES, D_FEAT), dtype=jnp.float32)
    edge_index = jax.random.randint(ks[1], (2, N_EDGES), 0, N_NODES, dtype=jnp.int32)
    he = jax.random.normal(ks[2], (N_EDGES, D_EDGE), dtype=jnp.float32)
    # nn.Linear params: weight [out, in], bias [out]
    W1 = jax.random.normal(ks[3], (D_FEAT, 2 * D_FEAT), dtype=jnp.float32) * (1.0 / np.sqrt(2 * D_FEAT))
    b1 = jnp.zeros((D_FEAT,), dtype=jnp.float32)
    W2 = jax.random.normal(ks[4], (D_FEAT, D_FEAT), dtype=jnp.float32) * (1.0 / np.sqrt(D_FEAT))
    b2 = jnp.zeros((D_FEAT,), dtype=jnp.float32)
    W3 = jax.random.normal(ks[5], (OUT_FEAT, D_FEAT), dtype=jnp.float32) * (1.0 / np.sqrt(D_FEAT))
    b3 = jnp.zeros((OUT_FEAT,), dtype=jnp.float32)
    return {"hn": hn, "edge_index": edge_index, "he": he,
            "W1": W1, "b1": b1, "W2": W2, "b2": b2, "W3": W3, "b3": b3}


def reference(hn, edge_index, he, W1, b1, W2, b2, W3, b3):
    # DGL update_all(copy_u('hn','m'), sum('m','hn_aggr')):
    # for each edge (src, dst): hn_aggr[dst] += hn[src]
    src = edge_index[0]
    dst = edge_index[1]
    msgs = jnp.take(hn, src, axis=0)                      # gather: [E, D]
    hn_aggr = jax.ops.segment_sum(msgs, dst, num_segments=N_NODES)  # scatter-add: [N, D]
    h_total = jnp.concatenate([hn, hn_aggr], axis=1)      # [N, 2D]
    h = jnp.maximum(h_total @ W1.T + b1, 0.0)
    h = jnp.maximum(h @ W2.T + b2, 0.0)
    h = h @ W3.T + b3
    return h

if __name__ == "__main__":
    import jax
    _d = setup_inputs()
    print(jax.jit(kernel)(*tuple(_d.values())))

</pallas_src>

<mosaic_0001>
#map = affine_map<(d0, d1) -> (0, 0, 0)>
#map1 = affine_map<(d0, d1) -> (0, 0)>
module attributes {stable_mosaic.version = 14 : i64} {
  func.func @_sc_body(%arg0: i32, %arg1: i32, %arg2: memref<32x114x128xi32, #tpu.memory_space<hbm>>, %arg3: memref<32x114x128xi32, #tpu.memory_space<hbm>>, %arg4: memref<10000x128xf32, #tpu.memory_space<hbm>>, %arg5: memref<10240x128xf32, #tpu.memory_space<hbm>>, %arg6: memref<2x10240x128xf32, #tpu.memory_space<hbm>>, %arg7: memref<114x128xi32, #tpu.memory_space<vmem>>, %arg8: memref<114x128xi32, #tpu.memory_space<vmem>>, %arg9: memref<128x128xf32, #tpu.memory_space<vmem>>, %arg10: memref<10240x128xf32, #tpu.memory_space<vmem_shared>>, %arg11: memref<!tpu.dma_semaphore, #tpu.memory_space<semaphore_mem>>) attributes {dimension_semantics = [#tpu.dimension_semantics<core_parallel>, #tpu.dimension_semantics<subcore_parallel>], iteration_bounds = array<i64: 2, 16>, scalar_prefetch = 0 : i64, scratch_operands = 5 : i64, tpu.core_type = #tpu.core_type<sc_vector_subcore>, window_params = [{transform_indices = #map}, {transform_indices = #map}, {transform_indices = #map1}, {transform_indices = #map1}, {transform_indices = #map}]} {
    %mul3A = arith.constant 16 : i32
    %mul3A_0 = arith.muli %arg0, %mul3A : i32
    %add3A = arith.addi %mul3A_0, %arg1 : i32
    %mul3A_1 = arith.constant 640 : i32
    %mul3A_2 = arith.muli %arg1, %mul3A_1 : i32
    "tpu.region"() ({
      %run_scoped3A = tpu.sem_alloc : memref<!tpu.dma_semaphore, #tpu.memory_space<semaphore_mem>>
      %dma_start3A = arith.constant 0 : i32
      %dma_start3A_11 = tpu.memref_slice %arg10[%mul3A_2, %dma_start3A] : memref<10240x128xf32, #tpu.memory_space<vmem_shared>> -> memref<640x128xf32, #tpu.memory_space<vmem_shared>>
      %dma_start3A_12 = arith.constant 0 : i32
      %dma_start3A_13 = tpu.memref_slice %arg5[%mul3A_2, %dma_start3A_12] : memref<10240x128xf32, #tpu.memory_space<hbm>> -> memref<640x128xf32, #tpu.memory_space<hbm>>
      tpu.enqueue_dma source(%dma_start3A_13 : memref<640x128xf32, #tpu.memory_space<hbm>>) target(%dma_start3A_11 : memref<640x128xf32, #tpu.memory_space<vmem_shared>>) target_semaphore(%run_scoped3A : memref<!tpu.dma_semaphore, #tpu.memory_space<semaphore_mem>>)
      %dma_wait3A = arith.constant 0 : i32
      %dma_wait3A_14 = tpu.memref_slice %arg10[%mul3A_2, %dma_wait3A] : memref<10240x128xf32, #tpu.memory_space<vmem_shared>> -> memref<640x128xf32, #tpu.memory_space<vmem_shared>>
      %dma_wait3A_15 = arith.constant 0 : i32
      %dma_wait3A_16 = tpu.memref_slice %arg5[%mul3A_2, %dma_wait3A_15] : memref<10240x128xf32, #tpu.memory_space<hbm>> -> memref<640x128xf32, #tpu.memory_space<hbm>>
      tpu.wait_dma2 semaphore(%run_scoped3A : memref<!tpu.dma_semaphore, #tpu.memory_space<semaphore_mem>>) src(%dma_wait3A_16 : memref<640x128xf32, #tpu.memory_space<hbm>>) dst(%dma_wait3A_14 : memref<640x128xf32, #tpu.memory_space<vmem_shared>>)
      tpu.yield
    }) : () -> ()
    "tpu.region"() ({
      %run_scoped3A = tpu.sem_alloc : memref<!tpu.dma_semaphore, #tpu.memory_space<semaphore_mem>>
      %dma_start3A = arith.constant 0 : i32
      %dma_start3A_11 = arith.constant 0 : i32
      %dma_start3A_12 = tpu.memref_slice %arg2[%add3A, %dma_start3A, %dma_start3A_11] : memref<32x114x128xi32, #tpu.memory_space<hbm>> -> memref<1x114x128xi32, #tpu.memory_space<hbm>>
      %dma_start3A_13 = tpu.memref_squeeze %dma_start3A_12 : memref<1x114x128xi32, #tpu.memory_space<hbm>> -> memref<114x128xi32, #tpu.memory_space<hbm>>
      %dma_start3A_14 = arith.constant 0 : i32
      %dma_start3A_15 = arith.constant 0 : i32
      %dma_start3A_16 = tpu.memref_slice %arg2[%add3A, %dma_start3A_14, %dma_start3A_15] : memref<32x114x128xi32, #tpu.memory_space<hbm>> -> memref<1x114x128xi32, #tpu.memory_space<hbm>>
      %dma_start3A_17 = tpu.memref_squeeze %dma_start3A_16 : memref<1x114x128xi32, #tpu.memory_space<hbm>> -> memref<114x128xi32, #tpu.memory_space<hbm>>
      tpu.enqueue_dma source(%dma_start3A_17 : memref<114x128xi32, #tpu.memory_space<hbm>>) target(%arg7 : memref<114x128xi32, #tpu.memory_space<vmem>>) target_semaphore(%run_scoped3A : memref<!tpu.dma_semaphore, #tpu.memory_space<semaphore_mem>>)
      %dma_wait3A = arith.constant 0 : i32
      %dma_wait3A_18 = arith.constant 0 : i32
      %dma_wait3A_19 = tpu.memref_slice %arg2[%add3A, %dma_wait3A, %dma_wait3A_18] : memref<32x114x128xi32, #tpu.memory_space<hbm>> -> memref<1x114x128xi32, #tpu.memory_space<hbm>>
      %dma_wait3A_20 = tpu.memref_squeeze %dma_wait3A_19 : memref<1x114x128xi32, #tpu.memory_space<hbm>> -> memref<114x128xi32, #tpu.memory_space<hbm>>
      %dma_wait3A_21 = arith.constant 0 : i32
      %dma_wait3A_22 = arith.constant 0 : i32
      %dma_wait3A_23 = tpu.memref_slice %arg2[%add3A, %dma_wait3A_21, %dma_wait3A_22] : memref<32x114x128xi32, #tpu.memory_space<hbm>> -> memref<1x114x128xi32, #tpu.memory_space<hbm>>
      %dma_wait3A_24 = tpu.memref_squeeze %dma_wait3A_23 : memref<1x114x128xi32, #tpu.memory_space<hbm>> -> memref<114x128xi32, #tpu.memory_space<hbm>>
      tpu.wait_dma2 semaphore(%run_scoped3A : memref<!tpu.dma_semaphore, #tpu.memory_space<semaphore_mem>>) src(%dma_wait3A_24 : memref<114x128xi32, #tpu.memory_space<hbm>>) dst(%arg7 : memref<114x128xi32, #tpu.memory_space<vmem>>)
      tpu.yield
    }) : () -> ()
    "tpu.region"() ({
      %run_scoped3A = tpu.sem_alloc : memref<!tpu.dma_semaphore, #tpu.memory_space<semaphore_mem>>
      %dma_start3A = arith.constant 0 : i32
      %dma_start3A_11 = arith.constant 0 : i32
      %dma_start3A_12 = tpu.memref_slice %arg3[%add3A, %dma_start3A, %dma_start3A_11] : memref<32x114x128xi32, #tpu.memory_space<hbm>> -> memref<1x114x128xi32, #tpu.memory_space<hbm>>
      %dma_start3A_13 = tpu.memref_squeeze %dma_start3A_12 : memref<1x114x128xi32, #tpu.memory_space<hbm>> -> memref<114x128xi32, #tpu.memory_space<hbm>>
      %dma_start3A_14 = arith.constant 0 : i32
      %dma_start3A_15 = arith.constant 0 : i32
      %dma_start3A_16 = tpu.memref_slice %arg3[%add3A, %dma_start3A_14, %dma_start3A_15] : memref<32x114x128xi32, #tpu.memory_space<hbm>> -> memref<1x114x128xi32, #tpu.memory_space<hbm>>
      %dma_start3A_17 = tpu.memref_squeeze %dma_start3A_16 : memref<1x114x128xi32, #tpu.memory_space<hbm>> -> memref<114x128xi32, #tpu.memory_space<hbm>>
      tpu.enqueue_dma source(%dma_start3A_17 : memref<114x128xi32, #tpu.memory_space<hbm>>) target(%arg8 : memref<114x128xi32, #tpu.memory_space<vmem>>) target_semaphore(%run_scoped3A : memref<!tpu.dma_semaphore, #tpu.memory_space<semaphore_mem>>)
      %dma_wait3A = arith.constant 0 : i32
      %dma_wait3A_18 = arith.constant 0 : i32
      %dma_wait3A_19 = tpu.memref_slice %arg3[%add3A, %dma_wait3A, %dma_wait3A_18] : memref<32x114x128xi32, #tpu.memory_space<hbm>> -> memref<1x114x128xi32, #tpu.memory_space<hbm>>
      %dma_wait3A_20 = tpu.memref_squeeze %dma_wait3A_19 : memref<1x114x128xi32, #tpu.memory_space<hbm>> -> memref<114x128xi32, #tpu.memory_space<hbm>>
      %dma_wait3A_21 = arith.constant 0 : i32
      %dma_wait3A_22 = arith.constant 0 : i32
      %dma_wait3A_23 = tpu.memref_slice %arg3[%add3A, %dma_wait3A_21, %dma_wait3A_22] : memref<32x114x128xi32, #tpu.memory_space<hbm>> -> memref<1x114x128xi32, #tpu.memory_space<hbm>>
      %dma_wait3A_24 = tpu.memref_squeeze %dma_wait3A_23 : memref<1x114x128xi32, #tpu.memory_space<hbm>> -> memref<114x128xi32, #tpu.memory_space<hbm>>
      tpu.wait_dma2 semaphore(%run_scoped3A : memref<!tpu.dma_semaphore, #tpu.memory_space<semaphore_mem>>) src(%dma_wait3A_24 : memref<114x128xi32, #tpu.memory_space<hbm>>) dst(%arg8 : memref<114x128xi32, #tpu.memory_space<vmem>>)
      tpu.yield
    }) : () -> ()
    %barrier3A = arith.constant 0 : index
    tpu.barrier barrier_id(%barrier3A)
    %eq3A = arith.constant 0 : i32
    %eq3A_3 = arith.cmpi eq, %arg0, %eq3A : i32
    %convert_element_type3A = arith.extui %eq3A_3 : i1 to i32
    %cond3A = arith.constant 0 : i32
    %cond3A_4 = arith.cmpi ne, %convert_element_type3A, %cond3A : i32
    scf.if %cond3A_4 {
      %scan3A = arith.constant 0 : i32
      %scan3A_11 = arith.constant 0 : i32
      %scan3A_12 = arith.constant 114 : i32
      %scan3A_13 = arith.addi %scan3A_11, %scan3A_12 : i32
      %scan3A_14 = arith.constant 1 : i32
      scf.for %scan3A_16 = %scan3A_11 to %scan3A_13 step %scan3A_14  : i32 {
        %dma_start3A = arith.constant 0 : i32
        %dma_start3A_17 = tpu.memref_slice %arg7[%scan3A_16, %dma_start3A] : memref<114x128xi32, #tpu.memory_space<vmem>> -> memref<1x128xi32, #tpu.memory_space<vmem>>
        %dma_start3A_18 = tpu.memref_squeeze %dma_start3A_17 : memref<1x128xi32, #tpu.memory_space<vmem>> -> memref<128xi32, #tpu.memory_space<vmem>>
        %dma_start3A_19 = arith.constant 0 : i32
        %dma_start3A_20 = arith.constant 0 : i32
        %dma_start3A_21 = tpu.memref_slice %arg4[%dma_start3A_19, %dma_start3A_20] : memref<10000x128xf32, #tpu.memory_space<hbm>> -> memref<10000x128xf32, #tpu.memory_space<hbm>>
        tpu.enqueue_indirect_dma source(%dma_start3A_21 : memref<10000x128xf32, #tpu.memory_space<hbm>>) target(%arg9 : memref<128x128xf32, #tpu.memory_space<vmem>>) offsets(%dma_start3A_18 : memref<128xi32, #tpu.memory_space<vmem>>) semaphore(%arg11 : memref<!tpu.dma_semaphore, #tpu.memory_space<semaphore_mem>>)
        %dma_wait3A = arith.constant 0 : i32
        %dma_wait3A_22 = tpu.memref_slice %arg7[%scan3A_16, %dma_wait3A] : memref<114x128xi32, #tpu.memory_space<vmem>> -> memref<1x128xi32, #tpu.memory_space<vmem>>
        %dma_wait3A_23 = tpu.memref_squeeze %dma_wait3A_22 : memref<1x128xi32, #tpu.memory_space<vmem>> -> memref<128xi32, #tpu.memory_space<vmem>>
        %dma_wait3A_24 = arith.constant 0 : i32
        %dma_wait3A_25 = arith.constant 0 : i32
        %dma_wait3A_26 = tpu.memref_slice %arg4[%dma_wait3A_24, %dma_wait3A_25] : memref<10000x128xf32, #tpu.memory_space<hbm>> -> memref<10000x128xf32, #tpu.memory_space<hbm>>
        tpu.wait_indirect_dma semaphore(%arg11 : memref<!tpu.dma_semaphore, #tpu.memory_space<semaphore_mem>>) src(%dma_wait3A_26 : memref<10000x128xf32, #tpu.memory_space<hbm>>) dst(%arg9 : memref<128x128xf32, #tpu.memory_space<vmem>>)
        "tpu.region"() ({
          %run_scoped3A = tpu.sem_alloc : memref<!tpu.dma_semaphore, #tpu.memory_space<semaphore_mem>>
          %dma_start3A_27 = arith.constant 0 : i32
          %dma_start3A_28 = tpu.memref_slice %arg8[%scan3A_16, %dma_start3A_27] : memref<114x128xi32, #tpu.memory_space<vmem>> -> memref<1x128xi32, #tpu.memory_space<vmem>>
          %dma_start3A_29 = tpu.memref_squeeze %dma_start3A_28 : memref<1x128xi32, #tpu.memory_space<vmem>> -> memref<128xi32, #tpu.memory_space<vmem>>
          %dma_start3A_30 = arith.constant 0 : i32
          %dma_start3A_31 = arith.constant 0 : i32
          %dma_start3A_32 = tpu.memref_slice %arg10[%dma_start3A_30, %dma_start3A_31] : memref<10240x128xf32, #tpu.memory_space<vmem_shared>> -> memref<10240x128xf32, #tpu.memory_space<vmem_shared>>
          tpu.enqueue_indirect_dma source(%arg9 : memref<128x128xf32, #tpu.memory_space<vmem>>) target(%dma_start3A_32 : memref<10240x128xf32, #tpu.memory_space<vmem_shared>>) offsets(%dma_start3A_29 : memref<128xi32, #tpu.memory_space<vmem>>) semaphore(%run_scoped3A : memref<!tpu.dma_semaphore, #tpu.memory_space<semaphore_mem>>) {add = true}
          %dma_wait3A_33 = arith.constant 0 : i32
          %dma_wait3A_34 = tpu.memref_slice %arg8[%scan3A_16, %dma_wait3A_33] : memref<114x128xi32, #tpu.memory_space<vmem>> -> memref<1x128xi32, #tpu.memory_space<vmem>>
          %dma_wait3A_35 = tpu.memref_squeeze %dma_wait3A_34 : memref<1x128xi32, #tpu.memory_space<vmem>> -> memref<128xi32, #tpu.memory_space<vmem>>
          %dma_wait3A_36 = arith.constant 0 : i32
          %dma_wait3A_37 = arith.constant 0 : i32
          %dma_wait3A_38 = tpu.memref_slice %arg10[%dma_wait3A_36, %dma_wait3A_37] : memref<10240x128xf32, #tpu.memory_space<vmem_shared>> -> memref<10240x128xf32, #tpu.memory_space<vmem_shared>>
          tpu.wait_indirect_dma semaphore(%run_scoped3A : memref<!tpu.dma_semaphore, #tpu.memory_space<semaphore_mem>>) src(%arg9 : memref<128x128xf32, #tpu.memory_space<vmem>>) dst(%dma_wait3A_38 : memref<10240x128xf32, #tpu.memory_space<vmem_shared>>)
          tpu.yield
        }) : () -> ()
      }
      %scan3A_15 = arith.constant 114 : i32
    } else {
    }
    %eq3A_5 = arith.constant 1 : i32
    %eq3A_6 = arith.cmpi eq, %arg0, %eq3A_5 : i32
    %convert_element_type3A_7 = arith.extui %eq3A_6 : i1 to i32
    %cond3A_8 = arith.constant 0 : i32
    %cond3A_9 = arith.cmpi ne, %convert_element_type3A_7, %cond3A_8 : i32
    scf.if %cond3A_9 {
      %scan3A = arith.constant 0 : i32
      %scan3A_11 = arith.constant 0 : i32
      %scan3A_12 = arith.constant 44 : i32
      %scan3A_13 = arith.addi %scan3A_11, %scan3A_12 : i32
      %scan3A_14 = arith.constant 1 : i32
      scf.for %scan3A_16 = %scan3A_11 to %scan3A_13 step %scan3A_14  : i32 {
        %dma_start3A = arith.constant 0 : i32
        %dma_start3A_17 = tpu.memref_slice %arg7[%scan3A_16, %dma_start3A] : memref<114x128xi32, #tpu.memory_space<vmem>> -> memref<1x128xi32, #tpu.memory_space<vmem>>
        %dma_start3A_18 = tpu.memref_squeeze %dma_start3A_17 : memref<1x128xi32, #tpu.memory_space<vmem>> -> memref<128xi32, #tpu.memory_space<vmem>>
        %dma_start3A_19 = arith.constant 0 : i32
        %dma_start3A_20 = arith.constant 0 : i32
        %dma_start3A_21 = tpu.memref_slice %arg4[%dma_start3A_19, %dma_start3A_20] : memref<10000x128xf32, #tpu.memory_space<hbm>> -> memref<10000x128xf32, #tpu.memory_space<hbm>>
        tpu.enqueue_indirect_dma source(%dma_start3A_21 : memref<10000x128xf32, #tpu.memory_space<hbm>>) target(%arg9 : memref<128x128xf32, #tpu.memory_space<vmem>>) offsets(%dma_start3A_18 : memref<128xi32, #tpu.memory_space<vmem>>) semaphore(%arg11 : memref<!tpu.dma_semaphore, #tpu.memory_space<semaphore_mem>>)
        %dma_wait3A = arith.constant 0 : i32
        %dma_wait3A_22 = tpu.memref_slice %arg7[%scan3A_16, %dma_wait3A] : memref<114x128xi32, #tpu.memory_space<vmem>> -> memref<1x128xi32, #tpu.memory_space<vmem>>
        %dma_wait3A_23 = tpu.memref_squeeze %dma_wait3A_22 : memref<1x128xi32, #tpu.memory_space<vmem>> -> memref<128xi32, #tpu.memory_space<vmem>>
        %dma_wait3A_24 = arith.constant 0 : i32
        %dma_wait3A_25 = arith.constant 0 : i32
        %dma_wait3A_26 = tpu.memref_slice %arg4[%dma_wait3A_24, %dma_wait3A_25] : memref<10000x128xf32, #tpu.memory_space<hbm>> -> memref<10000x128xf32, #tpu.memory_space<hbm>>
        tpu.wait_indirect_dma semaphore(%arg11 : memref<!tpu.dma_semaphore, #tpu.memory_space<semaphore_mem>>) src(%dma_wait3A_26 : memref<10000x128xf32, #tpu.memory_space<hbm>>) dst(%arg9 : memref<128x128xf32, #tpu.memory_space<vmem>>)
        "tpu.region"() ({
          %run_scoped3A = tpu.sem_alloc : memref<!tpu.dma_semaphore, #tpu.memory_space<semaphore_mem>>
          %dma_start3A_27 = arith.constant 0 : i32
          %dma_start3A_28 = tpu.memref_slice %arg8[%scan3A_16, %dma_start3A_27] : memref<114x128xi32, #tpu.memory_space<vmem>> -> memref<1x128xi32, #tpu.memory_space<vmem>>
          %dma_start3A_29 = tpu.memref_squeeze %dma_start3A_28 : memref<1x128xi32, #tpu.memory_space<vmem>> -> memref<128xi32, #tpu.memory_space<vmem>>
          %dma_start3A_30 = arith.constant 0 : i32
          %dma_start3A_31 = arith.constant 0 : i32
          %dma_start3A_32 = tpu.memref_slice %arg10[%dma_start3A_30, %dma_start3A_31] : memref<10240x128xf32, #tpu.memory_space<vmem_shared>> -> memref<10240x128xf32, #tpu.memory_space<vmem_shared>>
          tpu.enqueue_indirect_dma source(%arg9 : memref<128x128xf32, #tpu.memory_space<vmem>>) target(%dma_start3A_32 : memref<10240x128xf32, #tpu.memory_space<vmem_shared>>) offsets(%dma_start3A_29 : memref<128xi32, #tpu.memory_space<vmem>>) semaphore(%run_scoped3A : memref<!tpu.dma_semaphore, #tpu.memory_space<semaphore_mem>>) {add = true}
          %dma_wait3A_33 = arith.constant 0 : i32
          %dma_wait3A_34 = tpu.memref_slice %arg8[%scan3A_16, %dma_wait3A_33] : memref<114x128xi32, #tpu.memory_space<vmem>> -> memref<1x128xi32, #tpu.memory_space<vmem>>
          %dma_wait3A_35 = tpu.memref_squeeze %dma_wait3A_34 : memref<1x128xi32, #tpu.memory_space<vmem>> -> memref<128xi32, #tpu.memory_space<vmem>>
          %dma_wait3A_36 = arith.constant 0 : i32
          %dma_wait3A_37 = arith.constant 0 : i32
          %dma_wait3A_38 = tpu.memref_slice %arg10[%dma_wait3A_36, %dma_wait3A_37] : memref<10240x128xf32, #tpu.memory_space<vmem_shared>> -> memref<10240x128xf32, #tpu.memory_space<vmem_shared>>
          tpu.wait_indirect_dma semaphore(%run_scoped3A : memref<!tpu.dma_semaphore, #tpu.memory_space<semaphore_mem>>) src(%arg9 : memref<128x128xf32, #tpu.memory_space<vmem>>) dst(%dma_wait3A_38 : memref<10240x128xf32, #tpu.memory_space<vmem_shared>>)
          tpu.yield
        }) : () -> ()
      }
      %scan3A_15 = arith.constant 44 : i32
    } else {
    }
    %barrier3A_10 = arith.constant 0 : index
    tpu.barrier barrier_id(%barrier3A_10)
    "tpu.region"() ({
      %run_scoped3A = tpu.sem_alloc : memref<!tpu.dma_semaphore, #tpu.memory_space<semaphore_mem>>
      %dma_start3A = arith.constant 0 : i32
      %dma_start3A_11 = tpu.memref_slice %arg6[%arg0, %mul3A_2, %dma_start3A] : memref<2x10240x128xf32, #tpu.memory_space<hbm>> -> memref<1x640x128xf32, #tpu.memory_space<hbm>>
      %dma_start3A_12 = tpu.memref_squeeze %dma_start3A_11 : memref<1x640x128xf32, #tpu.memory_space<hbm>> -> memref<640x128xf32, #tpu.memory_space<hbm>>
      %dma_start3A_13 = arith.constant 0 : i32
      %dma_start3A_14 = tpu.memref_slice %arg10[%mul3A_2, %dma_start3A_13] : memref<10240x128xf32, #tpu.memory_space<vmem_shared>> -> memref<640x128xf32, #tpu.memory_space<vmem_shared>>
      tpu.enqueue_dma source(%dma_start3A_14 : memref<640x128xf32, #tpu.memory_space<vmem_shared>>) target(%dma_start3A_12 : memref<640x128xf32, #tpu.memory_space<hbm>>) target_semaphore(%run_scoped3A : memref<!tpu.dma_semaphore, #tpu.memory_space<semaphore_mem>>)
      %dma_wait3A = arith.constant 0 : i32
      %dma_wait3A_15 = tpu.memref_slice %arg6[%arg0, %mul3A_2, %dma_wait3A] : memref<2x10240x128xf32, #tpu.memory_space<hbm>> -> memref<1x640x128xf32, #tpu.memory_space<hbm>>
      %dma_wait3A_16 = tpu.memref_squeeze %dma_wait3A_15 : memref<1x640x128xf32, #tpu.memory_space<hbm>> -> memref<640x128xf32, #tpu.memory_space<hbm>>
      %dma_wait3A_17 = arith.constant 0 : i32
      %dma_wait3A_18 = tpu.memref_slice %arg10[%mul3A_2, %dma_wait3A_17] : memref<10240x128xf32, #tpu.memory_space<vmem_shared>> -> memref<640x128xf32, #tpu.memory_space<vmem_shared>>
      tpu.wait_dma2 semaphore(%run_scoped3A : memref<!tpu.dma_semaphore, #tpu.memory_space<semaphore_mem>>) src(%dma_wait3A_18 : memref<640x128xf32, #tpu.memory_space<vmem_shared>>) dst(%dma_wait3A_16 : memref<640x128xf32, #tpu.memory_space<hbm>>)
      tpu.yield
    }) : () -> ()
    return
  }
}

module attributes {stable_mosaic.version = 14 : i64} {
  func.func @_mlp_body(%arg0: i32, %arg1: memref<5000x128xf32, #tpu.memory_space<vmem>>, %arg2: memref<2x5000x128xf32, #tpu.memory_space<vmem>>, %arg3: memref<128x128xf32, #tpu.memory_space<vmem>>, %arg4: memref<128x128xf32, #tpu.memory_space<vmem>>, %arg5: memref<1x128xf32, #tpu.memory_space<vmem>>, %arg6: memref<128x128xf32, #tpu.memory_space<vmem>>, %arg7: memref<1x128xf32, #tpu.memory_space<vmem>>, %arg8: memref<128x128xf32, #tpu.memory_space<vmem>>, %arg9: memref<1x128xf32, #tpu.memory_space<vmem>>, %arg10: memref<5000x128xf32, #tpu.memory_space<vmem>>) attributes {dimension_semantics = [#tpu.dimension_semantics<arbitrary>], iteration_bounds = array<i64: 2>, scalar_prefetch = 0 : i64, scratch_operands = 0 : i64, tpu.core_type = #tpu.core_type<tc>, window_params = [{transform_indices = @transform_0, window_bounds = array<i64: 5000, 128>}, {transform_indices = @transform_1, window_bounds = array<i64: 2, 5000, 128>}, {pipeline_mode = #tpu.pipeline_mode<synchronous>, transform_indices = @transform_2, window_bounds = array<i64: 128, 128>}, {pipeline_mode = #tpu.pipeline_mode<synchronous>, transform_indices = @transform_3, window_bounds = array<i64: 128, 128>}, {pipeline_mode = #tpu.pipeline_mode<synchronous>, transform_indices = @transform_4, window_bounds = array<i64: 1, 128>}, {pipeline_mode = #tpu.pipeline_mode<synchronous>, transform_indices = @transform_5, window_bounds = array<i64: 128, 128>}, {pipeline_mode = #tpu.pipeline_mode<synchronous>, transform_indices = @transform_6, window_bounds = array<i64: 1, 128>}, {pipeline_mode = #tpu.pipeline_mode<synchronous>, transform_indices = @transform_7, window_bounds = array<i64: 128, 128>}, {pipeline_mode = #tpu.pipeline_mode<synchronous>, transform_indices = @transform_8, window_bounds = array<i64: 1, 128>}, {transform_indices = @transform_9, window_bounds = array<i64: 5000, 128>}]} {
    %get3A = arith.constant 0 : index
    %get3A_0 = arith.constant 0 : index
    %get3A_1 = arith.constant 0 : index
    %get3A_2 = vector.load %arg2[%get3A, %get3A_0, %get3A_1] : memref<2x5000x128xf32, #tpu.memory_space<vmem>>, vector<1x5000x128xf32>
    %get3A_3 = vector.shape_cast %get3A_2 : vector<1x5000x128xf32> to vector<5000x128xf32>
    %get3A_4 = arith.constant 1 : index
    %get3A_5 = arith.constant 0 : index
    %get3A_6 = arith.constant 0 : index
    %get3A_7 = vector.load %arg2[%get3A_4, %get3A_5, %get3A_6] : memref<2x5000x128xf32, #tpu.memory_space<vmem>>, vector<1x5000x128xf32>
    %get3A_8 = vector.shape_cast %get3A_7 : vector<1x5000x128xf32> to vector<5000x128xf32>
    %add3A = arith.addf %get3A_3, %get3A_8 : vector<5000x128xf32>
    %get3A_9 = arith.constant 0 : index
    %get3A_10 = arith.constant 0 : index
    %get3A_11 = vector.load %arg1[%get3A_9, %get3A_10] : memref<5000x128xf32, #tpu.memory_space<vmem>>, vector<5000x128xf32>
    %get3A_12 = arith.constant 0 : index
    %get3A_13 = arith.constant 0 : index
    %get3A_14 = vector.load %arg3[%get3A_12, %get3A_13] : memref<128x128xf32, #tpu.memory_space<vmem>>, vector<128x128xf32>
    %dot_general3A = arith.constant dense<0.000000e+00> : vector<5000x128xf32>
    %dot_general3A_15 = tpu.matmul %get3A_11, %get3A_14, %dot_general3A {dimension_numbers = #tpu.dot_dimension_numbers<[1], [0], [0], [1], [0, 0, 1, 1], [], []>, transpose_lhs_hint = false} : vector<5000x128xf32>, vector<128x128xf32>, vector<5000x128xf32> -> vector<5000x128xf32>
    %get3A_16 = arith.constant 0 : index
    %get3A_17 = arith.constant 0 : index
    %get3A_18 = vector.load %arg4[%get3A_16, %get3A_17] : memref<128x128xf32, #tpu.memory_space<vmem>>, vector<128x128xf32>
    %dot_general3A_19 = arith.constant dense<0.000000e+00> : vector<5000x128xf32>
    %dot_general3A_20 = tpu.matmul %add3A, %get3A_18, %dot_general3A_19 {dimension_numbers = #tpu.dot_dimension_numbers<[1], [0], [0], [1], [0, 0, 1, 1], [], []>, transpose_lhs_hint = false} : vector<5000x128xf32>, vector<128x128xf32>, vector<5000x128xf32> -> vector<5000x128xf32>
    %add3A_21 = arith.addf %dot_general3A_15, %dot_general3A_20 : vector<5000x128xf32>
    %get3A_22 = arith.constant 0 : index
    %get3A_23 = arith.constant 0 : index
    %get3A_24 = vector.load %arg5[%get3A_22, %get3A_23] : memref<1x128xf32, #tpu.memory_space<vmem>>, vector<1x128xf32>
    %add3A_25 = vector.broadcast %get3A_24 : vector<1x128xf32> to vector<5000x128xf32>
    %add3A_26 = arith.addf %add3A_21, %add3A_25 : vector<5000x128xf32>
    %max3A = arith.constant 0.000000e+00 : f32
    %max3A_27 = vector.broadcast %max3A : f32 to vector<5000x128xf32>
    %max3A_28 = arith.maximumf %add3A_26, %max3A_27 : vector<5000x128xf32>
    %get3A_29 = arith.constant 0 : index
    %get3A_30 = arith.constant 0 : index
    %get3A_31 = vector.load %arg6[%get3A_29, %get3A_30] : memref<128x128xf32, #tpu.memory_space<vmem>>, vector<128x128xf32>
    %dot_general3A_32 = arith.constant dense<0.000000e+00> : vector<5000x128xf32>
    %dot_general3A_33 = tpu.matmul %max3A_28, %get3A_31, %dot_general3A_32 {dimension_numbers = #tpu.dot_dimension_numbers<[1], [0], [0], [1], [0, 0, 1, 1], [], []>, transpose_lhs_hint = false} : vector<5000x128xf32>, vector<128x128xf32>, vector<5000x128xf32> -> vector<5000x128xf32>
    %get3A_34 = arith.constant 0 : index
    %get3A_35 = arith.constant 0 : index
    %get3A_36 = vector.load %arg7[%get3A_34, %get3A_35] : memref<1x128xf32, #tpu.memory_space<vmem>>, vector<1x128xf32>
    %add3A_37 = vector.broadcast %get3A_36 : vector<1x128xf32> to vector<5000x128xf32>
    %add3A_38 = arith.addf %dot_general3A_33, %add3A_37 : vector<5000x128xf32>
    %max3A_39 = arith.constant 0.000000e+00 : f32
    %max3A_40 = vector.broadcast %max3A_39 : f32 to vector<5000x128xf32>
    %max3A_41 = arith.maximumf %add3A_38, %max3A_40 : vector<5000x128xf32>
    %get3A_42 = arith.constant 0 : index
    %get3A_43 = arith.constant 0 : index
    %get3A_44 = vector.load %arg8[%get3A_42, %get3A_43] : memref<128x128xf32, #tpu.memory_space<vmem>>, vector<128x128xf32>
    %dot_general3A_45 = arith.constant dense<0.000000e+00> : vector<5000x128xf32>
    %dot_general3A_46 = tpu.matmul %max3A_41, %get3A_44, %dot_general3A_45 {dimension_numbers = #tpu.dot_dimension_numbers<[1], [0], [0], [1], [0, 0, 1, 1], [], []>, transpose_lhs_hint = false} : vector<5000x128xf32>, vector<128x128xf32>, vector<5000x128xf32> -> vector<5000x128xf32>
    %get3A_47 = arith.constant 0 : index
    %get3A_48 = arith.constant 0 : index
    %get3A_49 = vector.load %arg9[%get3A_47, %get3A_48] : memref<1x128xf32, #tpu.memory_space<vmem>>, vector<1x128xf32>
    %add3A_50 = vector.broadcast %get3A_49 : vector<1x128xf32> to vector<5000x128xf32>
    %add3A_51 = arith.addf %dot_general3A_46, %add3A_50 : vector<5000x128xf32>
    %swap3A = arith.constant 0 : index
    %swap3A_52 = arith.constant 0 : index
    %swap3A_53 = vector.load %arg10[%swap3A, %swap3A_52] : memref<5000x128xf32, #tpu.memory_space<vmem>>, vector<5000x128xf32>
    tpu.vector_store %arg10[%swap3A, %swap3A_52], %add3A_51 {strides = array<i32>} : memref<5000x128xf32, #tpu.memory_space<vmem>>, vector<5000x128xf32>,
    return
  }
  func.func @transform_0(%arg0: i32) -> (i32, i32) {
    %c0_i32 = arith.constant 0 : i32
    %c0_i32_0 = arith.constant 0 : i32
    return %arg0, %c0_i32 : i32, i32
  }
  func.func @transform_1(%arg0: i32) -> (i32, i32, i32) {
    %c0_i32 = arith.constant 0 : i32
    %c0_i32_0 = arith.constant 0 : i32
    %c0_i32_1 = arith.constant 0 : i32
    return %c0_i32, %arg0, %c0_i32_0 : i32, i32, i32
  }
  func.func @transform_2(%arg0: i32) -> (i32, i32) {
    %c0_i32 = arith.constant 0 : i32
    %c0_i32_0 = arith.constant 0 : i32
    %c0_i32_1 = arith.constant 0 : i32
    return %c0_i32, %c0_i32_0 : i32, i32
  }
  func.func @transform_3(%arg0: i32) -> (i32, i32) {
    %c0_i32 = arith.constant 0 : i32
    %c0_i32_0 = arith.constant 0 : i32
    %c0_i32_1 = arith.constant 0 : i32
    return %c0_i32, %c0_i32_0 : i32, i32
  }
  func.func @transform_4(%arg0: i32) -> (i32, i32) {
    %c0_i32 = arith.constant 0 : i32
    %c0_i32_0 = arith.constant 0 : i32
    %c0_i32_1 = arith.constant 0 : i32
    return %c0_i32, %c0_i32_0 : i32, i32
  }
  func.func @transform_5(%arg0: i32) -> (i32, i32) {
    %c0_i32 = arith.constant 0 : i32
    %c0_i32_0 = arith.constant 0 : i32
    %c0_i32_1 = arith.constant 0 : i32
    return %c0_i32, %c0_i32_0 : i32, i32
  }
  func.func @transform_6(%arg0: i32) -> (i32, i32) {
    %c0_i32 = arith.constant 0 : i32
    %c0_i32_0 = arith.constant 0 : i32
    %c0_i32_1 = arith.constant 0 : i32
    return %c0_i32, %c0_i32_0 : i32, i32
  }
  func.func @transform_7(%arg0: i32) -> (i32, i32) {
    %c0_i32 = arith.constant 0 : i32
    %c0_i32_0 = arith.constant 0 : i32
    %c0_i32_1 = arith.constant 0 : i32
    return %c0_i32, %c0_i32_0 : i32, i32
  }
  func.func @transform_8(%arg0: i32) -> (i32, i32) {
    %c0_i32 = arith.constant 0 : i32
    %c0_i32_0 = arith.constant 0 : i32
    %c0_i32_1 = arith.constant 0 : i32
    return %c0_i32, %c0_i32_0 : i32, i32
  }
  func.func @transform_9(%arg0: i32) -> (i32, i32) {
    %c0_i32 = arith.constant 0 : i32
    %c0_i32_0 = arith.constant 0 : i32
    return %arg0, %c0_i32 : i32, i32
  }
}

</mosaic_0001>

<sc_bundles>
// kernel: kernel.4.cloned.1.call-start
scs
__scs_entry_jumppad:
0x0: {  	(pc) =	sbr.rel $0x88, $3  }
0x1: {  	(tag) =	ssettag $0x0;
	lr =	simm.s32 $0x1  }
0x2: {  	[smem:$0x3F99] =	sst lr;
	_ =	strace $0xD0000000  }
0x3: {  	_ = 	snop  }
0x4: {  	_ = 	snop  }
0x5: {  	_ = 	snop  }
0x6: {  	_ = 	snop  }
0x7: {  	_ = 	snop  }
__scs_overlays_trampoline_lowered:
0x8: {  	[smem:$0x3FA8] =	sst s0  }
0x9: {  	[smem:$0x3FA9] =	sst s1  }
0xa: {  	[smem:$0x3FAA] =	sst s2  }
0xb: {  	[smem:$0x3FAB] =	sst s3  }
0xc: {  	[smem:$0x3FAC] =	sst s4  }
0xd: {  	[smem:$0x3FAD] =	sst s5  }
0xe: {  	[smem:$0x3FAE] =	sst s6  }
0xf: {  	[smem:$0x3FAF] =	sst s7  }
0x10: {  	[smem:$0x3FB0] =	sst s8  }
0x11: {  	[smem:$0x3FB1] =	sst s9;
	s0 =	simm.s32 @!p0 $0x0  }
0x12: {  	s1 =	sld [smem:$0x3F97];
	s0 =	simm.s32 @p0 $0x1  }
0x13: {  	[smem:$0x3FB2] =	sst s0;
	s0 =	simm.s32 @!p1 $0x0  }
0x14: {  	s2 =	sld [smem:$0x3F96];
	s0 =	simm.s32 @p1 $0x1  }
0x15: {  	[smem:$0x3FB3] =	sst s0;
	s0 =	simm.s32 @!p2 $0x0  }
0x16: {  	s3 =	sld [smem:$0x3FDB];
	s0 =	simm.s32 @p2 $0x1  }
0x17: {  	s4 =	simm.s32 $0x1BF5;
	[smem:$0x3FB5] =	sst s0  }
0x18: {  	s0 =	sld [smem:$0x3F98];
	_ =	swait.ge [sflag:s4], $0x0  }
0x19: {  	s7 =	sld [smem:$0x3F99]  }
0x1a: {  	s8 =	sadd.s32 $0xFFFFE003, lr  }
0x1b: {  	s9 =	sadd.s32 $0xFFFFFEF7, lr;
	s5 =	simm.s32 $0xFFFFFFFF;
	p2 =	slt.u32 s8, $0xFFFFF086  }
0x1c: {  	p1 =	slt.u32 s9, $0xF7A;
	s5 =	simm.s32 @!p2 $0x0  }
0x1d: {  	s5 =	simm.s32 @p1 $0x1;
	p0 =	seq.s32 s7, s2  }
0x1e: {  	s7 =	smul.u32 @!p0 $0xF7A, s2;
	p2 =	seq.s32 @!p0 s5, $0x0  }
0x1f: {  	s9 =	smul.u32 $0xF7A, s1;
	s8 =	simm.s32 @!p0 $0x1BF5;
	p2 =	por !p2, p0  }
0x20: {  	[sflag:s8] =	ssyncset.s32 @!p0 $0xFFFFF086;
	s6 =	sadd.s32 @!p0 s3, s7;
	s7 =	simm.s32 @!p0 $0x108  }
0x21: {  	s3 =	sadd.s32 s3, s9;
	s6 =	sadd.s32 @!p0 $0x88, s6;
	s7 =	simm.s32 @p2 $0x1082  }
0x22: {  	[simem:s7], [sflag:s8] =	dma.local @!p0 [hbm:s6], $0xF7A  }
0x23: {  	s9 =	sor.u32 $0xD0000000, s2;
	s6 =	simm.s32 $0x108;
	_ =	swait.ge @!p0 [sflag:s8], $0x0  }
0x24: {  	s3 =	sadd.s32 $0x88, s3;
	s6 =	simm.s32 @!p1 $0x1082;
	[sflag:s4] =	ssyncset.s32 $0xFFFFF086  }
0x25: {  	[simem:s6], [sflag:s4] =	dma.local [hbm:s3], $0xF7A  }
0x26: {  	[smem:$0x3F99] =	sst s1;
	(tag) =	ssettag s2;
	_ =	strace s9  }
0x27: {  	s1 =	sld [smem:$0x3FA9]  }
0x28: {  	s2 =	sld [smem:$0x3FAA]  }
0x29: {  	s4 =	sld [smem:$0x3FAC]  }
0x2a: {  	p0 =	seq.s32 s5, $0x0;
	s5 =	sld [smem:$0x3FAD]  }
0x2b: {  	s6 =	sld [smem:$0x3FAE]  }
0x2c: {  	s7 =	sld [smem:$0x3FAF]  }
0x2d: {  	s3 =	simm.s32 $0x108;
	s8 =	sld [smem:$0x3FB0]  }
0x2e: {  	s3 =	simm.s32 @!p0 $0x1082;
	s9 =	sld [smem:$0x3FB1]  }
0x2f: {  	lr =	sadd.s32 s0, s3;
	s0 =	sld [smem:$0x3FA8]  }
0x30: {  	s3 =	sld [smem:$0x3FAB]  }
0x31: {  	[smem:$0x3FB4] =	sst s10  }
0x32: {  	s10 =	sld [smem:$0x3FB2];
	_ =	sdelay $0x3  }
0x33: {  	p0 =	seq.s32 s10, $0x1;
	s10 =	sld [smem:$0x3FB4];
	_ =	sdelay $0x3  }
0x34: {  	[smem:$0x3FB4] =	sst s10  }
0x35: {  	s10 =	sld [smem:$0x3FB3];
	_ =	sdelay $0x3  }
0x36: {  	p1 =	seq.s32 s10, $0x1;
	s10 =	sld [smem:$0x3FB4];
	_ =	sdelay $0x3  }
0x37: {  	[smem:$0x3FB4] =	sst s10  }
0x38: {  	s10 =	sld [smem:$0x3FB5]  }
0x39: {  	_ = 	snop;
	(pc) =	sbr.ind lr, $3  }
0x3a: {  	_ = 	snop  }
0x3b: {  	_ = 	snop  }
0x3c: {  	p2 =	seq.s32 s10, $0x1;
	s10 =	sld [smem:$0x3FB4]  }
0x3d: {  	_ =	shalt  }
0x3e: {  	_ =	shalt  }
0x3f: {  	_ =	shalt  }
0x40: {  	_ =	shalt  }
0x41: {  	_ =	shalt  }
0x42: {  	_ =	shalt  }
0x43: {  	_ =	shalt  }
0x44: {  	_ =	shalt  }
0x45: {  	_ =	shalt  }
0x46: {  	_ =	shalt  }
0x47: {  	_ =	shalt  }
0x48: {  	_ =	shalt  }
0x49: {  	_ =	shalt  }
0x4a: {  	_ =	shalt  }
0x4b: {  	_ =	shalt  }
0x4c: {  	_ =	shalt  }
0x4d: {  	_ =	shalt  }
0x4e: {  	_ =	shalt  }
0x4f: {  	_ =	shalt  }
0x50: {  	_ =	shalt  }
0x51: {  	_ =	shalt  }
0x52: {  	_ =	shalt  }
0x53: {  	_ =	shalt  }
0x54: {  	_ =	shalt  }
0x55: {  	_ =	shalt  }
0x56: {  	_ =	shalt  }
0x57: {  	_ =	shalt  }
0x58: {  	_ =	shalt  }
0x59: {  	_ =	shalt  }
0x5a: {  	_ =	shalt  }
0x5b: {  	_ =	shalt  }
0x5c: {  	_ =	shalt  }
0x5d: {  	_ =	shalt  }
0x5e: {  	_ =	shalt  }
0x5f: {  	_ =	shalt  }
0x60: {  	_ =	shalt  }
0x61: {  	_ =	shalt  }
0x62: {  	_ =	shalt  }
0x63: {  	_ =	shalt  }
0x64: {  	_ =	shalt  }
0x65: {  	_ =	shalt  }
0x66: {  	_ =	shalt  }
0x67: {  	_ =	shalt  }
0x68: {  	_ =	shalt  }
0x69: {  	_ =	shalt  }
0x6a: {  	_ =	shalt  }
0x6b: {  	_ =	shalt  }
0x6c: {  	_ =	shalt  }
0x6d: {  	_ =	shalt  }
0x6e: {  	_ =	shalt  }
0x6f: {  	_ =	shalt  }
0x70: {  	_ =	shalt  }
0x71: {  	_ =	shalt  }
0x72: {  	_ =	shalt  }
0x73: {  	_ =	shalt  }
0x74: {  	_ =	shalt  }
0x75: {  	_ =	shalt  }
0x76: {  	_ =	shalt  }
0x77: {  	_ =	shalt  }
0x78: {  	_ =	shalt  }
0x79: {  	_ =	shalt  }
0x7a: {  	_ =	shalt  }
0x7b: {  	_ =	shalt  }
0x7c: {  	_ =	shalt  }
0x7d: {  	_ =	shalt  }
0x7e: {  	_ =	shalt  }
0x7f: {  	_ =	shalt  }
0x80: {  	_ =	shalt  }
0x81: {  	_ =	shalt  }
0x82: {  	_ =	shalt  }
0x83: {  	_ =	shalt  }
0x84: {  	_ =	shalt  }
0x85: {  	_ =	shalt  }
0x86: {  	_ =	shalt  }
0x87: {  	_ =	shalt  }
.Lfunc_end0:
.L_simem_size_0:
called_computation_lowered:
.L_overlay_start_0:
0x88: {  	s2 =	sld [smem:$0x3FD9]  }
0x89: {  	s3 =	sld [smem:$0x3FFE];
	_ =	sdelay $0x1  }
0x8a: {  	s1 =	srdreg.scid  }
0x8b: {  	s0 =	sand.u32 $0x1, s1  }
0x8c: {  	s17 =	sshll.u32 s0, $0xA;
	s2 =	sadd.s32 s3, s2  }
0x8d: {  	s2 =	sadd.s32 s2, s17  }
0x8e: {  	[smem:$0x3FC0] =	sst s2  }
0x8f: {  	_ = 	snop  }
0x90: {  	s2 =	sld [smem:$0x3FC9]  }
0x91: {  	s18 =	sld [smem:$0x3FD0];
	(tm) =	ssettm $0x1  }
0x92: {  	s4 =	sld [smem:$0x3FFB];
	_ =	sdelay $0x3  }
0x93: {  	_ =	strace s4  }
0x94: {  	s4 =	sld [smem:$0x3FFC];
	_ =	sdelay $0x3  }
0x95: {  	_ =	strace s4  }
0x96: {  	s4 =	sld [smem:$0x3FFD];
	_ =	sdelay $0x3  }
0x97: {  	_ =	strace s4  }
0x98: {  	_ =	strace $0x8FFFFFFF  }
0x99: {  	s19 =	sld [smem:$0x3FDB];
	_ =	sdelay $0x1  }
0x9a: {  	s5 =	simm.s32 $_scs_section_size  }
0x9b: {  	s6 =	simm.s32 $_size__tile_overlayer_lowered;
	s7 =	simm.s32 $_tile_overlayer_lowered  }
0x9c: {  	s22 =	simm.s32 $0x1BFF;
	s21 =	sshll.u32 s7, $0x1;
	s4 =	sadd.s32 s5, s19  }
0x9d: {  	s8 =	simm.s32 $0x0;
	s20 =	sshll.u32 s6, $0x1;
	s6 =	sadd.s32 s21, s4  }
0x9e: {  	[timem:s8], [sflag:s22] =	dma.local [hbm:s6], s20  }
0x9f: {  	_ =	swait.ge [sflag:s22], s20  }
0xa0: {  	s5 =	ssub.s32 $0x0, s20;
	[sflag:s22] =	ssyncset.done $0x0  }
0xa1: {  	[sflag:s22] =	ssyncadd.s32 s5;
	_ =	sdelay $0x1  }
0xa2: {  	s23 =	simm.s32 $0x1B8B  }
0xa3: {  	_ =	swait.ge [sflag:s23], $0x1  }
0xa4: {  	[sflag:s23] =	ssyncset.done $0x0  }
0xa5: {  	s25 =	simm.s32 $0x1B8E;
	s24 =	sld [smem:$0x3FFE];
	[sflag:s23] =	ssyncadd.s32 $0xFFFFFFFF  }
0xa6: {  	s26 =	simm.s32 $execute0_lowered;
	[smem:$0x3FD2] =	sst s25  }
0xa7: {  	s6 =	sshll.u32 s26, $0x1;
	_ =	strace $0x80000046;
	[dreg:$0x1] =	wrdreg $0xFFFFFFFF  }
0xa8: {  	s28 =	simm.s32 $_size_execute0_lowered;
	s4 =	sadd.s32 s4, s6;
	[dreg:$0x0] =	wrdreg $0x0  }
0xa9: {  	s6 =	sshll.u32 s28, $0x1;
	[dreg:$0x2] =	wrdreg s4  }
0xaa: {  	[dreg:$0x3] =	wrdreg s6  }
0xab: {  	[dreg:$0x4] =	wrdreg $0xC0  }
0xac: {  	_ =	task [dreg:s8], $0x5FFFF  }
0xad: {  	[dreg:$0x1] =	wrdreg $0xFFFFFFFF  }
0xae: {  	[dreg:$0x0] =	wrdreg $0x60  }
0xaf: {  	[dreg:$0x2] =	wrdreg s18  }
0xb0: {  	[dreg:$0x3] =	wrdreg s24  }
0xb1: {  	[dreg:$0x4] =	wrdreg s2  }
0xb2: {  	[dreg:$0x5] =	wrdreg $0xB8000  }
0xb3: {  	[dreg:$0x6] =	wrdreg $0x9  }
0xb4: {  	_ =	task.clear_ibuf [dreg:s8], $0x7FFFF;
	_ =	strace $0x90000046  }
0xb5: {  	s29 =	simm.s32 $0x9;
	_ =	strace $0x80000048  }
0xb6: {  	_ =	swait.ge [sflag:s29], $0x1  }
0xb7: {  	[sflag:s29] =	ssyncadd.s32 $0xFFFFFFFF  }
0xb8: {  	_ =	strace $0x90000048  }
0xb9: {  	_ =	sfence  }
0xba: {  	s30 =	sld [smem:$0x0];
	_ =	sdelay $0x2  }
0xbb: {  	s31 =	sshll.u32 s1, $0xD;
	s1 =	sshrl.u32 s1, $0x2  }
0xbc: {  	s3 =	sand.u32 $0x4000, s31;
	s1 =	sadd.s32 s1, s30  }
0xbd: {  	s0 =	sor.u32 s3, s0;
	s1 =	sshll.u32 s1, $0x11  }
0xbe: {  	s0 =	sor.u32 s1, s0  }
0xbf: {  	s0 =	sadd.s32 $0x8F2B, s0  }
0xc0: {  	[sflag:s0] =	ssyncadd.remote.s32 $0x1  }
0xc1: {  	_ =	sfence.sel $0xFFFF  }
0xc2: {  	[dreg:$0x0] =	wrdreg $0xFFFFFFFF;
	(pc) =	sbr.abs _section_cstart, $3  }
0xc3: {  	[dreg:$0x1] =	wrdreg $0xFFFFFFFF  }
0xc4: {  	_ =	task.clear_ibuf [dreg:s8], $0x2FFFF;
	_ =	strace $0x9FFFFFFF  }
0xc5: {  	(tm) =	ssettm $0x7FFFFFFF  }
tec
execute0_lowered:
.L_overlay_start_1:
0x0: {  	(tag) =	ssettag $0x1  }
0x1: {  	s7 =	rddreg [dreg:$0x0]  }
0x2: {  	s5 =	rddreg [dreg:$0x1]  }
0x3: {  	s2 =	rddreg [dreg:$0x2]  }
0x4: {  	s0 =	srdreg.scid;
	s3 =	rddreg [dreg:$0x3]  }
0x5: {  	s4 =	simm.s32 $0x0;
	s9 =	sand.u32 $0x1, s0;
	s0 =	stileid.u32  }
0x6: {  	s15 =	simm.s32 $0x7800;
	s16 =	simm.s32 $0x1;
	s6 =	smul.u32 $0x14000, s0  }
0x7: {  	s17 =	simm.s32 $0x0;
	[smem:$0x7FF] =	sst s4;
	s10 =	smul.u32 $0x140000, s9  }
0x8: {  	s1 =	sshll.u32 s9, $0x4;
	s28 =	ssub.s32 $0x2, s9;
	s13 =	smul.u32 $0x50000, s0  }
0x9: {  	s31 =	sshll.u32 s0, $0x6;
	p0 =	seq.s32 s9, $0x1;
	s1 =	sor.u32 s0, s1  }
0xa: {  	s29 =	sshrl.u32 s28, $0x1;
	s8 =	smul.u32 $0x780, s1;
	s1 =	rddreg [dreg:$0x4]  }
0xb: {  	_ =	strace $0x80000047;
	s12 =	sshrl.u32 s6, $0x3;
	s6 =	sadd.s32 s6, s10  }
0xc: {  	s10 =	ssub.s32 s28, s29;
	s30 =	sshrl.u32 s13, $0x2;
	s6 =	sshrl.u32 s6, $0x3  }
.Ltmp0:
0xd: {  	s12 =	sadd.s32 s12, s5;
	s13 =	sadd.s32 s30, s3;
	(pc) =	sbr.rel .LBB2_1-.Ltmp0, $4  }
0xe: {  	s10 =	smax.u32 s10, $0x1;
	s11 =	sadd.s32 s8, s5;
	s14 =	sadd.s32 s6, s5  }
0xf: {  	s5 =	sadd.s32 $0xFE00, s12;
	s6 =	sor.u32 $0x1C02, s31;
	s7 =	sadd.s32 s7, s8  }
0x10: {  	s12 =	simm.s32 $0x2;
	s8 =	sadd.s32 $0xE00, s11;
	s9 =	sadd.s32 $0x37E00, s14  }
0x11: {  	s11 =	sshrl.u32 s13, $0x3;
	s13 =	simm.s32 $0x3C00;
	s14 =	simm.s32 $0x80  }
.LBB2_7:
0x12: {  	s18 =	sshra.s32 s18, $0x2;
	[sflag:s12] =	ssyncadd.s32 $0xFFFFC000  }
0x13: {  	[tilespmem:s15], [sflag:$0x1] =	stream.indirect.gather [hbm4b:s2+s14], $0x80, s18, s14, $0xb8;
	[tilespmem:$0x1F800] =	vst v63  }
0x14: {  	_ =	swait.ge [sflag:s16], $0x4000  }
0x15: {  	[sflag:s16] =	ssyncset.done $0x0  }
0x16: {  	s18 =	sadd.s32 $0x3C00, s18;
	[sflag:s16] =	ssyncadd.s32 $0xFFFFC000  }
0x17: {  	[spmem:s3] =	stream.indirect.scatter.add.f32 [tilespmem:s15], [sflag:$0x2], $0x80, s18, s14, $0xb8;
	[tilespmem:$0x1F800] =	vst v63  }
0x18: {  	_ =	swait.ge [sflag:s12], $0x4000  }
0x19: {  	[sflag:s12] =	ssyncset.done $0x0  }
0x1a: {  	[sflag:s12] =	ssyncadd.s32 $0xFFFFC000  }
.LBB2_8:
0x1b: {  	s17 =	sadd.s32 $0x1, s17  }
0x1c: {  	p1 =	sne.s32 s17, s10  }
.Ltmp1:
0x1d: {  	[bflag:$0x0] =	sbarrier.arrive $0xFFFF;
	(pc) =	sbr.rel @!p1 .LBB2_9-.Ltmp1, $4  }
0x1e: {  	[hbm:s9], [sflag:s6] =	dma.local [spmem:s11], $0x2800  }
0x1f: {  	_ =	swait.ge [sflag:s12], $0x2800  }
0x20: {  	[sflag:s12] =	ssyncset.done $0x0  }
0x21: {  	[sflag:s12] =	ssyncadd.s32 $0xFFFFD800  }
.LBB2_1:
0x22: {  	[spmem:s11], [sflag:s6] =	dma.local [hbm:s5], $0x2800  }
0x23: {  	_ =	swait.ge [sflag:s12], $0x2800  }
0x24: {  	[sflag:s12] =	ssyncset.done $0x0  }
0x25: {  	[sflag:s12] =	ssyncadd.s32 $0xFFFFD800  }
0x26: {  	[tilespmem:s4], [sflag:$0x2] =	stream.linear.gather [hbm4b:s7+s4], $0x3900, $0x38;
	[tilespmem:$0x1F800] =	vst v63  }
0x27: {  	_ =	swait.ge [sflag:s12], $0x3900  }
0x28: {  	[sflag:s12] =	ssyncset.done $0x0  }
0x29: {  	[sflag:s12] =	ssyncadd.s32 $0xFFFFC700  }
0x2a: {  	[tilespmem:s13], [sflag:$0x2] =	stream.linear.gather [hbm4b:s8+s4], $0x3900, $0x38;
	[tilespmem:$0x1F800] =	vst v63  }
.Ltmp2:
0x2b: {  	_ =	swait.ge [sflag:s12], $0x3900;
	(pc) =	sbr.rel @!p0 .LBB2_2-.Ltmp2, $4  }
0x2c: {  	[sflag:s12] =	ssyncset.done $0x0  }
0x2d: {  	[sflag:s12] =	ssyncadd.s32 $0xFFFFC700  }
0x2e: {  	[bflag:$0x0] =	sbarrier.arrive $0xFFFF  }
0x2f: {  	s18 =	simm.s32 $0x0  }
0x30: {  	[tilespmem:s15], [sflag:$0x1] =	stream.indirect.gather [hbm4b:s2+s14], $0x80, s18, s14, $0xb8;
	[tilespmem:$0x1F800] =	vst v63  }
0x31: {  	_ =	swait.ge [sflag:s16], $0x4000  }
0x32: {  	[sflag:s16] =	ssyncset.done $0x0  }
0x33: {  	s31 =	simm.s32 $0x3C00;
	[sflag:s16] =	ssyncadd.s32 $0xFFFFC000  }
0x34: {  	[spmem:s3] =	stream.indirect.scatter.add.f32 [tilespmem:s15], [sflag:$0x2], $0x80, s31, s14, $0xb8;
	[tilespmem:$0x1F800] =	vst v63  }
0x35: {  	_ =	swait.ge [sflag:s12], $0x4000  }
0x36: {  	s18 =	simm.s32 $0x200;
	s19 =	simm.s32 $0x400;
	[sflag:s12] =	ssyncset.done $0x0  }
.LBB2_6:
0x37: {  	s20 =	sshra.s32 s18, $0x2  }
0x38: {  	[sflag:s12] =	ssyncadd.s32 $0xFFFFC000;
	s18 =	smov.u32 s19;
	s21 =	sadd.s32 $0x200, s19  }
0x39: {  	[tilespmem:s15], [sflag:$0x1] =	stream.indirect.gather [hbm4b:s2+s14], $0x80, s20, s14, $0xb8;
	[tilespmem:$0x1F800] =	vst v63  }
0x3a: {  	p1 =	sne.s32 s19, $0x5600;
	_ =	swait.ge [sflag:s16], $0x4000  }
.Ltmp3:
0x3b: {  	[sflag:s16] =	ssyncset.done $0x0;
	(pc) =	sbr.rel @p1 .LBB2_6-.Ltmp3, $4  }
0x3c: {  	s19 =	sadd.s32 $0x3C00, s20;
	[sflag:s16] =	ssyncadd.s32 $0xFFFFC000  }
0x3d: {  	[spmem:s3] =	stream.indirect.scatter.add.f32 [tilespmem:s15], [sflag:$0x2], $0x80, s19, s14, $0xb8;
	[tilespmem:$0x1F800] =	vst v63  }
0x3e: {  	_ =	swait.ge [sflag:s12], $0x4000  }
0x3f: {  	s19 =	smov.u32 s21;
	[sflag:s12] =	ssyncset.done $0x0  }
.Ltmp4:
0x40: {  	_ = 	snop;
	(pc) =	sbr.rel .LBB2_7-.Ltmp4, $1  }
0x41: {  	_ =	sdelay $0x3  }
.LBB2_2:
0x42: {  	[tilespmem:s15], [sflag:$0x1] =	stream.indirect.gather [hbm4b:s2+s14], $0x80, s18, s14, $0xb8;
	[tilespmem:$0x1F800] =	vst v63  }
0x43: {  	_ =	swait.ge [sflag:s16], $0x4000  }
0x44: {  	[sflag:s16] =	ssyncset.done $0x0  }
0x45: {  	s31 =	simm.s32 $0x3C00;
	[sflag:s16] =	ssyncadd.s32 $0xFFFFC000  }
0x46: {  	[spmem:s3] =	stream.indirect.scatter.add.f32 [tilespmem:s15], [sflag:$0x2], $0x80, s31, s14, $0xb8;
	[tilespmem:$0x1F800] =	vst v63  }
0x47: {  	_ =	swait.ge [sflag:s12], $0x4000  }
0x48: {  	s18 =	simm.s32 $0x200;
	s19 =	simm.s32 $0x400;
	[sflag:s12] =	ssyncset.done $0x0  }
.LBB2_3:
0x49: {  	s20 =	sshra.s32 s18, $0x2  }
0x4a: {  	[sflag:s12] =	ssyncadd.s32 $0xFFFFC000;
	s18 =	smov.u32 s19;
	s21 =	sadd.s32 $0x200, s19  }
0x4b: {  	[tilespmem:s15], [sflag:$0x1] =	stream.indirect.gather [hbm4b:s2+s14], $0x80, s20, s14, $0xb8;
	[tilespmem:$0x1F800] =	vst v63  }
0x4c: {  	p1 =	seq.s32 s19, $0xE200;
	_ =	swait.ge [sflag:s16], $0x4000  }
.Ltmp5:
0x4d: {  	[sflag:s16] =	ssyncset.done $0x0;
	(pc) =	sbr.rel @!p1 .LBB2_3-.Ltmp5, $4  }
0x4e: {  	s19 =	sadd.s32 $0x3C00, s20;
	[sflag:s16] =	ssyncadd.s32 $0xFFFFC000  }
0x4f: {  	[spmem:s3] =	stream.indirect.scatter.add.f32 [tilespmem:s15], [sflag:$0x2], $0x80, s19, s14, $0xb8;
	[tilespmem:$0x1F800] =	vst v63  }
0x50: {  	_ =	swait.ge [sflag:s12], $0x4000  }
0x51: {  	s19 =	smov.u32 s21;
	[sflag:s12] =	ssyncset.done $0x0  }
0x52: {  	s18 =	sshra.s32 s18, $0x2;
	[sflag:s12] =	ssyncadd.s32 $0xFFFFC000  }
0x53: {  	[tilespmem:s15], [sflag:$0x1] =	stream.indirect.gather [hbm4b:s2+s14], $0x80, s18, s14, $0xb8;
	[tilespmem:$0x1F800] =	vst v63  }
0x54: {  	_ =	swait.ge [sflag:s16], $0x4000  }
0x55: {  	[sflag:s16] =	ssyncset.done $0x0  }
.Ltmp6:
0x56: {  	s18 =	sadd.s32 $0x3C00, s18;
	[sflag:s16] =	ssyncadd.s32 $0xFFFFC000;
	(pc) =	sbr.rel .LBB2_8-.Ltmp6, $4  }
0x57: {  	[spmem:s3] =	stream.indirect.scatter.add.f32 [tilespmem:s15], [sflag:$0x2], $0x80, s18, s14, $0xb8;
	[tilespmem:$0x1F800] =	vst v63  }
0x58: {  	_ =	swait.ge [sflag:s12], $0x4000  }
0x59: {  	[sflag:s12] =	ssyncset.done $0x0  }
0x5a: {  	[sflag:s12] =	ssyncadd.s32 $0xFFFFC000  }
.LBB2_9:
0x5b: {  	_ =	sfence.sel $0x180000  }
0x5c: {  	[bflag:$0x0] =	sbarrier.arrive $0xFFFF  }
0x5d: {  	p0 =	sne.s32 s0, $0x0;
	_ =	strace $0x90000047  }
0x5e: {  	s0 =	sadd.s32 @!p0 $0x100000, s1;
	[bflag:$0x2] =	sbarrier.arrive $0xFFFF  }
0x5f: {  	[sflag:s0] =	ssyncadd.tile.s32 @!p0 $0x1;
	_ =	shalt  }
.Lfunc_end2:
_tile_overlayer_lowered:
.L_overlay_start_2:
0x60: {  	(tag) =	ssettag $0x2  }
0x61: {  	s0 =	rddreg [dreg:$0x0];
	s2 =	stileid.u32  }
0x62: {  	s1 =	rddreg [dreg:$0x1];
	p0 =	sne.s32 s2, $0x0  }
0x63: {  	s3 =	rddreg [dreg:$0x2];
	[bflag:$0x3] =	sbarrier.arrive $0xFFFF;
	s2 =	simm.s32 @!p0 $0x1C02  }
0x64: {  	[timem:s3], [sflag:s2] =	dma.local @!p0 [hbm:s0], s1  }
0x65: {  	s0 =	simm.s32 @!p0 $0x2  }
0x66: {  	_ =	swait.ge @!p0 [sflag:s0], s1  }
0x67: {  	s1 =	ssub.s32 @!p0 $0x0, s1;
	[sflag:s0] =	ssyncset.done @!p0 $0x0  }
0x68: {  	[sflag:s0] =	ssyncadd.s32 @!p0 s1  }
0x69: {  	[bflag:$0x3] =	sbarrier.arrive $0xFFFF  }
0x6a: {  	_ =	shalt  }

</sc_bundles>
